<compile_context>
chip_gen: v7x
topology: tpu7x:2x2x1
jax: 0.10.2.dev20260603
libtpu: 0.0.44.dev20260713+nightly
codegen_flags: <defaults>
</compile_context>

<pallas_src>
import functools

import jax
import jax.numpy as jnp
from jax import lax
from jax.experimental import pallas as pl
from jax.experimental.pallas import tpu as pltpu
from jax.experimental.pallas import tpu_sc as plsc

VOCAB = 100000
D_EMB = 128
MAX_SEQ = 2048
D_MODEL = 1024
LN_EPS = 1e-12

BATCH = 4
SEQ = 2048
N_TOK = BATCH * SEQ
NW = 32
MAX_GATHER = 128

TC_BLOCK = 2048

CHUNKS = (8192,)

_INV_D = 1.0 / D_EMB


@functools.cache
def _make_sc_gather(tok_start, ntok):
  tok_per_tile = ntok // NW
  n_gath = -(-tok_per_tile // MAX_GATHER)
  g = tok_per_tile // n_gath
  assert g * n_gath == tok_per_tile and g <= MAX_GATHER
  mesh = plsc.VectorSubcoreMesh(core_axis_name="c", subcore_axis_name="s")

  @functools.partial(
      pl.kernel,
      mesh=mesh,
      out_type=jax.ShapeDtypeStruct((ntok, D_EMB), jnp.float32),
      scratch_types=[
          pltpu.VMEM((n_gath, g), jnp.int32),
          pltpu.VMEM((tok_per_tile, D_EMB), jnp.float32),
          pltpu.SemaphoreType.DMA,
          pltpu.SemaphoreType.DMA,
          pltpu.SemaphoreType.DMA,
      ],
  )
  def gather_kernel(ids_hbm, wtab_hbm, wout_hbm, idx_v, wrows_v, semi,
                    semg, semw):
    c = lax.axis_index("c")
    s = lax.axis_index("s")
    wid = s * 2 + c
    tok0 = tok_start + wid * tok_per_tile
    b = tok0 // SEQ
    off = tok0 % SEQ
    cpi = [
        pltpu.async_copy(ids_hbm.at[b, pl.ds(off + j * g, g)], idx_v.at[j],
                         semi)
        for j in range(n_gath)
    ]
    cpg = []
    for j in range(n_gath):
      cpi[j].wait()
      cpg.append(
          pltpu.async_copy(wtab_hbm.at[idx_v.at[j]],
                           wrows_v.at[pl.ds(j * g, g)], semg))
    cpw = []
    for j in range(n_gath):
      cpg[j].wait()
      cpw.append(
          pltpu.async_copy(wrows_v.at[pl.ds(j * g, g)],
                           wout_hbm.at[pl.ds(wid * tok_per_tile + j * g, g)],
                           semw))
    for cp in cpw:
      cp.wait()

  return gather_kernel


def _tc_body(gath_ref, tid_ref, tdiff_ref, posq_ref, dk_ref, db_ref, *rest):
  out_ref = rest[-1]
  t = tid_ref[...].astype(jnp.float32)
  x = gath_ref[...] + posq_ref[...] + t * tdiff_ref[...]
  s1 = jnp.sum(x, axis=1, keepdims=True)
  s2 = jnp.sum(x * x, axis=1, keepdims=True)
  mean = s1 * _INV_D
  var = s2 * _INV_D - mean * mean
  y = (x - mean) * lax.rsqrt(var + LN_EPS)
  out_ref[...] = (
      jnp.dot(y.astype(jnp.bfloat16), dk_ref[...],
              preferred_element_type=jnp.float32)
      + db_ref[...])


def _tc_call(tok_start, ntok, gathered, tids, tdiff, posq, dkp, dbp, buf):
  base = tok_start // TC_BLOCK
  steps = ntok // TC_BLOCK

  in_specs = [
      pl.BlockSpec((TC_BLOCK, D_EMB), lambda i: (i, 0)),
      pl.BlockSpec((TC_BLOCK, 1), lambda i: (base + i, 0)),
      pl.BlockSpec((1, D_EMB), lambda i: (0, 0)),
      pl.BlockSpec((TC_BLOCK, D_EMB), lambda i: (0, 0)),
      pl.BlockSpec((D_EMB, D_MODEL), lambda i: (0, 0)),
      pl.BlockSpec((1, D_MODEL), lambda i: (0, 0)),
  ]
  args = [gathered, tids, tdiff, posq, dkp, dbp]
  aliases = {}
  if buf is not None:
    in_specs.append(pl.BlockSpec(memory_space=pl.ANY))
    args.append(buf)
    aliases = {6: 0}

  return pl.pallas_call(
      _tc_body,
      grid=(steps,),
      in_specs=in_specs,
      out_specs=pl.BlockSpec((TC_BLOCK, D_MODEL), lambda i: (base + i, 0)),
      out_shape=jax.ShapeDtypeStruct((N_TOK, D_MODEL), jnp.float32),
      input_output_aliases=aliases,
  )(*args)


def kernel(input_ids, type_ids, word_emb, pos_emb, type_emb, ln_scale,
           ln_bias, dense_kernel, dense_bias):
  batch, seq = input_ids.shape

  ids = input_ids.astype(jnp.int32)
  tids = type_ids.reshape(batch * seq, 1).astype(jnp.int32)

  starts = []
  t = 0
  for n in CHUNKS:
    starts.append(t)
    t += n
  assert t == N_TOK

  gathered = [
      _make_sc_gather(s, n)(ids, word_emb)
      for s, n in zip(starts, CHUNKS)
  ]

  posq = pos_emb.reshape(MAX_SEQ, D_EMB)[:seq] + type_emb[0:1, :]
  tdiff = (type_emb[1:2, :] - type_emb[0:1, :])
  dkp = (ln_scale[:, None] * dense_kernel).astype(jnp.bfloat16)
  dbp = (ln_bias @ dense_kernel + dense_bias).reshape(1, D_MODEL)

  buf = None
  for s, n, g in zip(starts, CHUNKS, gathered):
    buf = _tc_call(s, n, g, tids, tdiff, posq, dkp, dbp, buf)

  return buf.reshape(batch, seq, D_MODEL)

# --- scband reference (transcript-rebuilt; emitter-appended) ---
"""Pipeline reference for scband-embedding-layer-79319456023292 (READ-ONLY COPY).

The authoritative reference and input builder live on the scoring server;
editing this copy changes nothing except your own understanding.
"""

import jax, jax.numpy as jnp
import numpy as np

VOCAB = 100000
D_EMB = 128
MAX_SEQ = 2048
TYPE_VOCAB = 2
D_MODEL = 1024
BATCH = 4
SEQ = 2048
LN_EPS = 1e-12


def setup_inputs(seed: int = 0) -> dict:
    key = jax.random.key(seed)
    ks = jax.random.split(key, 9)
    input_ids = jax.random.randint(ks[0], (BATCH, SEQ), 0, VOCAB, dtype=jnp.int64 if jax.config.jax_enable_x64 else jnp.int32)
    type_ids = jax.random.randint(ks[1], (BATCH, SEQ), 0, TYPE_VOCAB, dtype=jnp.int64 if jax.config.jax_enable_x64 else jnp.int32)
    word_emb = jax.random.normal(ks[2], (VOCAB, D_EMB), dtype=jnp.float32) * 0.02
    pos_emb = jax.random.normal(ks[3], (1, MAX_SEQ, D_EMB), dtype=jnp.float32) * 0.02
    type_emb = jax.random.normal(ks[4], (TYPE_VOCAB, D_EMB), dtype=jnp.float32) * 0.02
    ln_scale = jnp.ones((D_EMB,), dtype=jnp.float32)
    ln_bias = jnp.zeros((D_EMB,), dtype=jnp.float32)
    dense_kernel = jax.random.normal(ks[5], (D_EMB, D_MODEL), dtype=jnp.float32) * (1.0 / np.sqrt(D_EMB))
    dense_bias = jnp.zeros((D_MODEL,), dtype=jnp.float32)
    return {
        "input_ids": input_ids,
        "type_ids": type_ids,
        "word_emb": word_emb,
        "pos_emb": pos_emb,
        "type_emb": type_emb,
        "ln_scale": ln_scale,
        "ln_bias": ln_bias,
        "dense_kernel": dense_kernel,
        "dense_bias": dense_bias,
    }


def reference(input_ids, type_ids, word_emb, pos_emb, type_emb, ln_scale, ln_bias, dense_kernel, dense_bias):
    # word embedding lookup (gather)
    word_embeddings = jnp.take(word_emb, input_ids, axis=0)  # [B, S, D_EMB]
    # learned positional embeddings, sliced to sequence length
    length = word_embeddings.shape[1]
    position_embeddings = pos_emb[:, :length, :]  # [1, S, D_EMB]
    # type embedding lookup
    type_embeddings = jnp.take(type_emb, type_ids, axis=0)  # [B, S, D_EMB]
    embeddings = word_embeddings + position_embeddings + type_embeddings
    # LayerNorm (flax default: with scale and bias), eps = 1e-12
    mean = jnp.mean(embeddings, axis=-1, keepdims=True)
    var = jnp.mean(jnp.square(embeddings - mean), axis=-1, keepdims=True)
    normed = (embeddings - mean) * jax.lax.rsqrt(var + LN_EPS)
    normed = normed * ln_scale + ln_bias
    # hidden_mapping_in dense: D_EMB -> D_MODEL
    out = jnp.einsum('bse,ed->bsd', normed, dense_kernel) + dense_bias
    # dropout in deterministic mode is identity
    return out

if __name__ == "__main__":
    import jax
    _d = setup_inputs()
    print(jax.jit(kernel)(*tuple(_d.values())))

</pallas_src>

<mosaic_0001>
#map = affine_map<(d0, d1) -> (0, 0)>
module attributes {stable_mosaic.version = 14 : i64} {
  func.func @gather_kernel(%arg0: i32, %arg1: i32, %arg2: memref<4x2048xi32, #tpu.memory_space<hbm>>, %arg3: memref<100000x128xf32, #tpu.memory_space<hbm>>, %arg4: memref<8192x128xf32, #tpu.memory_space<hbm>>, %arg5: memref<2x128xi32, #tpu.memory_space<vmem>>, %arg6: memref<256x128xf32, #tpu.memory_space<vmem>>, %arg7: memref<!tpu.dma_semaphore, #tpu.memory_space<semaphore_mem>>, %arg8: memref<!tpu.dma_semaphore, #tpu.memory_space<semaphore_mem>>, %arg9: memref<!tpu.dma_semaphore, #tpu.memory_space<semaphore_mem>>) attributes {dimension_semantics = [#tpu.dimension_semantics<core_parallel>, #tpu.dimension_semantics<subcore_parallel>], iteration_bounds = array<i64: 2, 16>, scalar_prefetch = 0 : i64, scratch_operands = 5 : i64, tpu.core_type = #tpu.core_type<sc_vector_subcore>, window_params = [{transform_indices = #map}, {transform_indices = #map}, {transform_indices = #map}]} {
    %mul3A = arith.constant 2 : i32
    %mul3A_0 = arith.muli %arg1, %mul3A : i32
    %add3A = arith.addi %mul3A_0, %arg0 : i32
    %mul3A_1 = arith.constant 256 : i32
    %mul3A_2 = arith.muli %add3A, %mul3A_1 : i32
    %add3A_3 = arith.constant 0 : i32
    %add3A_4 = arith.addi %add3A_3, %mul3A_2 : i32
    %jit3A = arith.constant 2048 : i32
    %div3A = arith.divsi %add3A_4, %jit3A : i32
    %sign3A = arith.constant 0 : i32
    %sign3A_5 = arith.cmpi sgt, %add3A_4, %sign3A : i32
    %sign3A_6 = arith.extui %sign3A_5 : i1 to i32
    %sign3A_7 = arith.constant 0 : i32
    %sign3A_8 = arith.cmpi slt, %add3A_4, %sign3A_7 : i32
    %sign3A_9 = arith.extui %sign3A_8 : i1 to i32
    %sign3A_10 = arith.subi %sign3A_6, %sign3A_9 : i32
    %sign3A_11 = arith.constant 0 : i32
    %sign3A_12 = arith.cmpi sgt, %jit3A, %sign3A_11 : i32
    %sign3A_13 = arith.extui %sign3A_12 : i1 to i32
    %sign3A_14 = arith.constant 0 : i32
    %sign3A_15 = arith.cmpi slt, %jit3A, %sign3A_14 : i32
    %sign3A_16 = arith.extui %sign3A_15 : i1 to i32
    %sign3A_17 = arith.subi %sign3A_13, %sign3A_16 : i32
    %ne3A = arith.cmpi ne, %sign3A_10, %sign3A_17 : i32
    %rem3A = arith.remsi %add3A_4, %jit3A : i32
    %ne3A_18 = arith.constant 0 : i32
    %ne3A_19 = arith.cmpi ne, %rem3A, %ne3A_18 : i32
    %and3A = arith.andi %ne3A, %ne3A_19 : i1
    %sub3A = arith.constant 1 : i32
    %sub3A_20 = arith.subi %div3A, %sub3A : i32
    %select_n3A = arith.select %and3A, %sub3A_20, %div3A : i32
    %jit3A_21 = arith.constant 2048 : i32
    %eq3A = arith.constant 0 : i32
    %eq3A_22 = arith.cmpi eq, %jit3A_21, %eq3A : i32
    %jit3A_23 = arith.constant 1 : i32
    %select_n3A_24 = arith.select %eq3A_22, %jit3A_23, %jit3A_21 : i32
    %rem3A_25 = arith.remsi %add3A_4, %select_n3A_24 : i32
    %ne3A_26 = arith.constant 0 : i32
    %ne3A_27 = arith.cmpi ne, %rem3A_25, %ne3A_26 : i32
    %lt3A = arith.constant 0 : i32
    %lt3A_28 = arith.cmpi slt, %rem3A_25, %lt3A : i32
    %lt3A_29 = arith.constant 0 : i32
    %lt3A_30 = arith.cmpi slt, %select_n3A_24, %lt3A_29 : i32
    %ne3A_31 = arith.xori %lt3A_28, %lt3A_30 : i1
    %and3A_32 = arith.andi %ne3A_31, %ne3A_27 : i1
    %add3A_33 = arith.addi %rem3A_25, %select_n3A_24 : i32
    %select_n3A_34 = arith.select %and3A_32, %add3A_33, %rem3A_25 : i32
    %add3A_35 = arith.constant 0 : i32
    %add3A_36 = arith.addi %select_n3A_34, %add3A_35 : i32
    %dma_start3A = arith.constant 0 : i32
    %dma_start3A_37 = arith.constant 0 : i32
    %dma_start3A_38 = tpu.memref_slice %arg5[%dma_start3A, %dma_start3A_37] : memref<2x128xi32, #tpu.memory_space<vmem>> -> memref<1x128xi32, #tpu.memory_space<vmem>>
    %dma_start3A_39 = tpu.memref_squeeze %dma_start3A_38 : memref<1x128xi32, #tpu.memory_space<vmem>> -> memref<128xi32, #tpu.memory_space<vmem>>
    %dma_start3A_40 = tpu.memref_slice %arg2[%select_n3A, %add3A_36] : memref<4x2048xi32, #tpu.memory_space<hbm>> -> memref<1x128xi32, #tpu.memory_space<hbm>>
    %dma_start3A_41 = tpu.memref_squeeze %dma_start3A_40 : memref<1x128xi32, #tpu.memory_space<hbm>> -> memref<128xi32, #tpu.memory_space<hbm>>
    %dma_start3A_42 = arith.constant 0 : i32
    %dma_start3A_43 = tpu.memref_slice %arg5[%dma_start3A, %dma_start3A_42] : memref<2x128xi32, #tpu.memory_space<vmem>> -> memref<1x128xi32, #tpu.memory_space<vmem>>
    %dma_start3A_44 = tpu.memref_squeeze %dma_start3A_43 : memref<1x128xi32, #tpu.memory_space<vmem>> -> memref<128xi32, #tpu.memory_space<vmem>>
    %dma_start3A_45 = tpu.memref_slice %arg2[%select_n3A, %add3A_36] : memref<4x2048xi32, #tpu.memory_space<hbm>> -> memref<1x128xi32, #tpu.memory_space<hbm>>
    %dma_start3A_46 = tpu.memref_squeeze %dma_start3A_45 : memref<1x128xi32, #tpu.memory_space<hbm>> -> memref<128xi32, #tpu.memory_space<hbm>>
    tpu.enqueue_dma source(%dma_start3A_46 : memref<128xi32, #tpu.memory_space<hbm>>) target(%dma_start3A_44 : memref<128xi32, #tpu.memory_space<vmem>>) target_semaphore(%arg7 : memref<!tpu.dma_semaphore, #tpu.memory_space<semaphore_mem>>)
    %add3A_47 = arith.constant 128 : i32
    %add3A_48 = arith.addi %select_n3A_34, %add3A_47 : i32
    %dma_start3A_49 = arith.constant 1 : i32
    %dma_start3A_50 = arith.constant 0 : i32
    %dma_start3A_51 = tpu.memref_slice %arg5[%dma_start3A_49, %dma_start3A_50] : memref<2x128xi32, #tpu.memory_space<vmem>> -> memref<1x128xi32, #tpu.memory_space<vmem>>
    %dma_start3A_52 = tpu.memref_squeeze %dma_start3A_51 : memref<1x128xi32, #tpu.memory_space<vmem>> -> memref<128xi32, #tpu.memory_space<vmem>>
    %dma_start3A_53 = tpu.memref_slice %arg2[%select_n3A, %add3A_48] : memref<4x2048xi32, #tpu.memory_space<hbm>> -> memref<1x128xi32, #tpu.memory_space<hbm>>
    %dma_start3A_54 = tpu.memref_squeeze %dma_start3A_53 : memref<1x128xi32, #tpu.memory_space<hbm>> -> memref<128xi32, #tpu.memory_space<hbm>>
    %dma_start3A_55 = arith.constant 0 : i32
    %dma_start3A_56 = tpu.memref_slice %arg5[%dma_start3A_49, %dma_start3A_55] : memref<2x128xi32, #tpu.memory_space<vmem>> -> memref<1x128xi32, #tpu.memory_space<vmem>>
    %dma_start3A_57 = tpu.memref_squeeze %dma_start3A_56 : memref<1x128xi32, #tpu.memory_space<vmem>> -> memref<128xi32, #tpu.memory_space<vmem>>
    %dma_start3A_58 = tpu.memref_slice %arg2[%select_n3A, %add3A_48] : memref<4x2048xi32, #tpu.memory_space<hbm>> -> memref<1x128xi32, #tpu.memory_space<hbm>>
    %dma_start3A_59 = tpu.memref_squeeze %dma_start3A_58 : memref<1x128xi32, #tpu.memory_space<hbm>> -> memref<128xi32, #tpu.memory_space<hbm>>
    tpu.enqueue_dma source(%dma_start3A_59 : memref<128xi32, #tpu.memory_space<hbm>>) target(%dma_start3A_57 : memref<128xi32, #tpu.memory_space<vmem>>) target_semaphore(%arg7 : memref<!tpu.dma_semaphore, #tpu.memory_space<semaphore_mem>>)
    %dma_wait3A = arith.constant 0 : i32
    %dma_wait3A_60 = arith.constant 0 : i32
    %dma_wait3A_61 = tpu.memref_slice %arg5[%dma_wait3A, %dma_wait3A_60] : memref<2x128xi32, #tpu.memory_space<vmem>> -> memref<1x128xi32, #tpu.memory_space<vmem>>
    %dma_wait3A_62 = tpu.memref_squeeze %dma_wait3A_61 : memref<1x128xi32, #tpu.memory_space<vmem>> -> memref<128xi32, #tpu.memory_space<vmem>>
    %dma_wait3A_63 = tpu.memref_slice %arg2[%select_n3A, %add3A_36] : memref<4x2048xi32, #tpu.memory_space<hbm>> -> memref<1x128xi32, #tpu.memory_space<hbm>>
    %dma_wait3A_64 = tpu.memref_squeeze %dma_wait3A_63 : memref<1x128xi32, #tpu.memory_space<hbm>> -> memref<128xi32, #tpu.memory_space<hbm>>
    %dma_wait3A_65 = arith.constant 0 : i32
    %dma_wait3A_66 = tpu.memref_slice %arg5[%dma_wait3A, %dma_wait3A_65] : memref<2x128xi32, #tpu.memory_space<vmem>> -> memref<1x128xi32, #tpu.memory_space<vmem>>
    %dma_wait3A_67 = tpu.memref_squeeze %dma_wait3A_66 : memref<1x128xi32, #tpu.memory_space<vmem>> -> memref<128xi32, #tpu.memory_space<vmem>>
    %dma_wait3A_68 = tpu.memref_slice %arg2[%select_n3A, %add3A_36] : memref<4x2048xi32, #tpu.memory_space<hbm>> -> memref<1x128xi32, #tpu.memory_space<hbm>>
    %dma_wait3A_69 = tpu.memref_squeeze %dma_wait3A_68 : memref<1x128xi32, #tpu.memory_space<hbm>> -> memref<128xi32, #tpu.memory_space<hbm>>
    tpu.wait_dma2 semaphore(%arg7 : memref<!tpu.dma_semaphore, #tpu.memory_space<semaphore_mem>>) src(%dma_wait3A_69 : memref<128xi32, #tpu.memory_space<hbm>>) dst(%dma_wait3A_67 : memref<128xi32, #tpu.memory_space<vmem>>)
    %dma_start3A_70 = arith.constant 0 : i32
    %dma_start3A_71 = arith.constant 0 : i32
    %dma_start3A_72 = arith.constant 0 : i32
    %dma_start3A_73 = tpu.memref_slice %arg6[%dma_start3A_71, %dma_start3A_72] : memref<256x128xf32, #tpu.memory_space<vmem>> -> memref<128x128xf32, #tpu.memory_space<vmem>>
    %dma_start3A_74 = arith.constant 0 : i32
    %dma_start3A_75 = tpu.memref_slice %arg5[%dma_start3A_70, %dma_start3A_74] : memref<2x128xi32, #tpu.memory_space<vmem>> -> memref<1x128xi32, #tpu.memory_space<vmem>>
    %dma_start3A_76 = tpu.memref_squeeze %dma_start3A_75 : memref<1x128xi32, #tpu.memory_space<vmem>> -> memref<128xi32, #tpu.memory_space<vmem>>
    %dma_start3A_77 = arith.constant 0 : i32
    %dma_start3A_78 = arith.constant 0 : i32
    %dma_start3A_79 = tpu.memref_slice %arg3[%dma_start3A_77, %dma_start3A_78] : memref<100000x128xf32, #tpu.memory_space<hbm>> -> memref<100000x128xf32, #tpu.memory_space<hbm>>
    tpu.enqueue_indirect_dma source(%dma_start3A_79 : memref<100000x128xf32, #tpu.memory_space<hbm>>) target(%dma_start3A_73 : memref<128x128xf32, #tpu.memory_space<vmem>>) offsets(%dma_start3A_76 : memref<128xi32, #tpu.memory_space<vmem>>) semaphore(%arg8 : memref<!tpu.dma_semaphore, #tpu.memory_space<semaphore_mem>>)
    %dma_wait3A_80 = arith.constant 1 : i32
    %dma_wait3A_81 = arith.constant 0 : i32
    %dma_wait3A_82 = tpu.memref_slice %arg5[%dma_wait3A_80, %dma_wait3A_81] : memref<2x128xi32, #tpu.memory_space<vmem>> -> memref<1x128xi32, #tpu.memory_space<vmem>>
    %dma_wait3A_83 = tpu.memref_squeeze %dma_wait3A_82 : memref<1x128xi32, #tpu.memory_space<vmem>> -> memref<128xi32, #tpu.memory_space<vmem>>
    %dma_wait3A_84 = tpu.memref_slice %arg2[%select_n3A, %add3A_48] : memref<4x2048xi32, #tpu.memory_space<hbm>> -> memref<1x128xi32, #tpu.memory_space<hbm>>
    %dma_wait3A_85 = tpu.memref_squeeze %dma_wait3A_84 : memref<1x128xi32, #tpu.memory_space<hbm>> -> memref<128xi32, #tpu.memory_space<hbm>>
    %dma_wait3A_86 = arith.constant 0 : i32
    %dma_wait3A_87 = tpu.memref_slice %arg5[%dma_wait3A_80, %dma_wait3A_86] : memref<2x128xi32, #tpu.memory_space<vmem>> -> memref<1x128xi32, #tpu.memory_space<vmem>>
    %dma_wait3A_88 = tpu.memref_squeeze %dma_wait3A_87 : memref<1x128xi32, #tpu.memory_space<vmem>> -> memref<128xi32, #tpu.memory_space<vmem>>
    %dma_wait3A_89 = tpu.memref_slice %arg2[%select_n3A, %add3A_48] : memref<4x2048xi32, #tpu.memory_space<hbm>> -> memref<1x128xi32, #tpu.memory_space<hbm>>
    %dma_wait3A_90 = tpu.memref_squeeze %dma_wait3A_89 : memref<1x128xi32, #tpu.memory_space<hbm>> -> memref<128xi32, #tpu.memory_space<hbm>>
    tpu.wait_dma2 semaphore(%arg7 : memref<!tpu.dma_semaphore, #tpu.memory_space<semaphore_mem>>) src(%dma_wait3A_90 : memref<128xi32, #tpu.memory_space<hbm>>) dst(%dma_wait3A_88 : memref<128xi32, #tpu.memory_space<vmem>>)
    %dma_start3A_91 = arith.constant 1 : i32
    %dma_start3A_92 = arith.constant 128 : i32
    %dma_start3A_93 = arith.constant 0 : i32
    %dma_start3A_94 = tpu.memref_slice %arg6[%dma_start3A_92, %dma_start3A_93] : memref<256x128xf32, #tpu.memory_space<vmem>> -> memref<128x128xf32, #tpu.memory_space<vmem>>
    %dma_start3A_95 = arith.constant 0 : i32
    %dma_start3A_96 = tpu.memref_slice %arg5[%dma_start3A_91, %dma_start3A_95] : memref<2x128xi32, #tpu.memory_space<vmem>> -> memref<1x128xi32, #tpu.memory_space<vmem>>
    %dma_start3A_97 = tpu.memref_squeeze %dma_start3A_96 : memref<1x128xi32, #tpu.memory_space<vmem>> -> memref<128xi32, #tpu.memory_space<vmem>>
    %dma_start3A_98 = arith.constant 0 : i32
    %dma_start3A_99 = arith.constant 0 : i32
    %dma_start3A_100 = tpu.memref_slice %arg3[%dma_start3A_98, %dma_start3A_99] : memref<100000x128xf32, #tpu.memory_space<hbm>> -> memref<100000x128xf32, #tpu.memory_space<hbm>>
    tpu.enqueue_indirect_dma source(%dma_start3A_100 : memref<100000x128xf32, #tpu.memory_space<hbm>>) target(%dma_start3A_94 : memref<128x128xf32, #tpu.memory_space<vmem>>) offsets(%dma_start3A_97 : memref<128xi32, #tpu.memory_space<vmem>>) semaphore(%arg8 : memref<!tpu.dma_semaphore, #tpu.memory_space<semaphore_mem>>)
    %dma_wait3A_101 = arith.constant 0 : i32
    %dma_wait3A_102 = arith.constant 0 : i32
    %dma_wait3A_103 = arith.constant 0 : i32
    %dma_wait3A_104 = tpu.memref_slice %arg6[%dma_wait3A_102, %dma_wait3A_103] : memref<256x128xf32, #tpu.memory_space<vmem>> -> memref<128x128xf32, #tpu.memory_space<vmem>>
    %dma_wait3A_105 = arith.constant 0 : i32
    %dma_wait3A_106 = tpu.memref_slice %arg5[%dma_wait3A_101, %dma_wait3A_105] : memref<2x128xi32, #tpu.memory_space<vmem>> -> memref<1x128xi32, #tpu.memory_space<vmem>>
    %dma_wait3A_107 = tpu.memref_squeeze %dma_wait3A_106 : memref<1x128xi32, #tpu.memory_space<vmem>> -> memref<128xi32, #tpu.memory_space<vmem>>
    %dma_wait3A_108 = arith.constant 0 : i32
    %dma_wait3A_109 = arith.constant 0 : i32
    %dma_wait3A_110 = tpu.memref_slice %arg3[%dma_wait3A_108, %dma_wait3A_109] : memref<100000x128xf32, #tpu.memory_space<hbm>> -> memref<100000x128xf32, #tpu.memory_space<hbm>>
    tpu.wait_indirect_dma semaphore(%arg8 : memref<!tpu.dma_semaphore, #tpu.memory_space<semaphore_mem>>) src(%dma_wait3A_110 : memref<100000x128xf32, #tpu.memory_space<hbm>>) dst(%dma_wait3A_104 : memref<128x128xf32, #tpu.memory_space<vmem>>)
    %mul3A_111 = arith.constant 256 : i32
    %mul3A_112 = arith.muli %add3A, %mul3A_111 : i32
    %add3A_113 = arith.constant 0 : i32
    %add3A_114 = arith.addi %mul3A_112, %add3A_113 : i32
    %dma_start3A_115 = arith.constant 0 : i32
    %dma_start3A_116 = arith.constant 0 : i32
    %dma_start3A_117 = tpu.memref_slice %arg6[%dma_start3A_115, %dma_start3A_116] : memref<256x128xf32, #tpu.memory_space<vmem>> -> memref<128x128xf32, #tpu.memory_space<vmem>>
    %dma_start3A_118 = arith.constant 0 : i32
    %dma_start3A_119 = tpu.memref_slice %arg4[%add3A_114, %dma_start3A_118] : memref<8192x128xf32, #tpu.memory_space<hbm>> -> memref<128x128xf32, #tpu.memory_space<hbm>>
    %dma_start3A_120 = arith.constant 0 : i32
    %dma_start3A_121 = tpu.memref_slice %arg4[%add3A_114, %dma_start3A_120] : memref<8192x128xf32, #tpu.memory_space<hbm>> -> memref<128x128xf32, #tpu.memory_space<hbm>>
    %dma_start3A_122 = arith.constant 0 : i32
    %dma_start3A_123 = arith.constant 0 : i32
    %dma_start3A_124 = tpu.memref_slice %arg6[%dma_start3A_122, %dma_start3A_123] : memref<256x128xf32, #tpu.memory_space<vmem>> -> memref<128x128xf32, #tpu.memory_space<vmem>>
    tpu.enqueue_dma source(%dma_start3A_124 : memref<128x128xf32, #tpu.memory_space<vmem>>) target(%dma_start3A_121 : memref<128x128xf32, #tpu.memory_space<hbm>>) target_semaphore(%arg9 : memref<!tpu.dma_semaphore, #tpu.memory_space<semaphore_mem>>)
    %dma_wait3A_125 = arith.constant 1 : i32
    %dma_wait3A_126 = arith.constant 128 : i32
    %dma_wait3A_127 = arith.constant 0 : i32
    %dma_wait3A_128 = tpu.memref_slice %arg6[%dma_wait3A_126, %dma_wait3A_127] : memref<256x128xf32, #tpu.memory_space<vmem>> -> memref<128x128xf32, #tpu.memory_space<vmem>>
    %dma_wait3A_129 = arith.constant 0 : i32
    %dma_wait3A_130 = tpu.memref_slice %arg5[%dma_wait3A_125, %dma_wait3A_129] : memref<2x128xi32, #tpu.memory_space<vmem>> -> memref<1x128xi32, #tpu.memory_space<vmem>>
    %dma_wait3A_131 = tpu.memref_squeeze %dma_wait3A_130 : memref<1x128xi32, #tpu.memory_space<vmem>> -> memref<128xi32, #tpu.memory_space<vmem>>
    %dma_wait3A_132 = arith.constant 0 : i32
    %dma_wait3A_133 = arith.constant 0 : i32
    %dma_wait3A_134 = tpu.memref_slice %arg3[%dma_wait3A_132, %dma_wait3A_133] : memref<100000x128xf32, #tpu.memory_space<hbm>> -> memref<100000x128xf32, #tpu.memory_space<hbm>>
    tpu.wait_indirect_dma semaphore(%arg8 : memref<!tpu.dma_semaphore, #tpu.memory_space<semaphore_mem>>) src(%dma_wait3A_134 : memref<100000x128xf32, #tpu.memory_space<hbm>>) dst(%dma_wait3A_128 : memref<128x128xf32, #tpu.memory_space<vmem>>)
    %mul3A_135 = arith.constant 256 : i32
    %mul3A_136 = arith.muli %add3A, %mul3A_135 : i32
    %add3A_137 = arith.constant 128 : i32
    %add3A_138 = arith.addi %mul3A_136, %add3A_137 : i32
    %dma_start3A_139 = arith.constant 128 : i32
    %dma_start3A_140 = arith.constant 0 : i32
    %dma_start3A_141 = tpu.memref_slice %arg6[%dma_start3A_139, %dma_start3A_140] : memref<256x128xf32, #tpu.memory_space<vmem>> -> memref<128x128xf32, #tpu.memory_space<vmem>>
    %dma_start3A_142 = arith.constant 0 : i32
    %dma_start3A_143 = tpu.memref_slice %arg4[%add3A_138, %dma_start3A_142] : memref<8192x128xf32, #tpu.memory_space<hbm>> -> memref<128x128xf32, #tpu.memory_space<hbm>>
    %dma_start3A_144 = arith.constant 0 : i32
    %dma_start3A_145 = tpu.memref_slice %arg4[%add3A_138, %dma_start3A_144] : memref<8192x128xf32, #tpu.memory_space<hbm>> -> memref<128x128xf32, #tpu.memory_space<hbm>>
    %dma_start3A_146 = arith.constant 128 : i32
    %dma_start3A_147 = arith.constant 0 : i32
    %dma_start3A_148 = tpu.memref_slice %arg6[%dma_start3A_146, %dma_start3A_147] : memref<256x128xf32, #tpu.memory_space<vmem>> -> memref<128x128xf32, #tpu.memory_space<vmem>>
    tpu.enqueue_dma source(%dma_start3A_148 : memref<128x128xf32, #tpu.memory_space<vmem>>) target(%dma_start3A_145 : memref<128x128xf32, #tpu.memory_space<hbm>>) target_semaphore(%arg9 : memref<!tpu.dma_semaphore, #tpu.memory_space<semaphore_mem>>)
    %dma_wait3A_149 = arith.constant 0 : i32
    %dma_wait3A_150 = arith.constant 0 : i32
    %dma_wait3A_151 = tpu.memref_slice %arg6[%dma_wait3A_149, %dma_wait3A_150] : memref<256x128xf32, #tpu.memory_space<vmem>> -> memref<128x128xf32, #tpu.memory_space<vmem>>
    %dma_wait3A_152 = arith.constant 0 : i32
    %dma_wait3A_153 = tpu.memref_slice %arg4[%add3A_114, %dma_wait3A_152] : memref<8192x128xf32, #tpu.memory_space<hbm>> -> memref<128x128xf32, #tpu.memory_space<hbm>>
    %dma_wait3A_154 = arith.constant 0 : i32
    %dma_wait3A_155 = tpu.memref_slice %arg4[%add3A_114, %dma_wait3A_154] : memref<8192x128xf32, #tpu.memory_space<hbm>> -> memref<128x128xf32, #tpu.memory_space<hbm>>
    %dma_wait3A_156 = arith.constant 0 : i32
    %dma_wait3A_157 = arith.constant 0 : i32
    %dma_wait3A_158 = tpu.memref_slice %arg6[%dma_wait3A_156, %dma_wait3A_157] : memref<256x128xf32, #tpu.memory_space<vmem>> -> memref<128x128xf32, #tpu.memory_space<vmem>>
    tpu.wait_dma2 semaphore(%arg9 : memref<!tpu.dma_semaphore, #tpu.memory_space<semaphore_mem>>) src(%dma_wait3A_158 : memref<128x128xf32, #tpu.memory_space<vmem>>) dst(%dma_wait3A_155 : memref<128x128xf32, #tpu.memory_space<hbm>>)
    %dma_wait3A_159 = arith.constant 128 : i32
    %dma_wait3A_160 = arith.constant 0 : i32
    %dma_wait3A_161 = tpu.memref_slice %arg6[%dma_wait3A_159, %dma_wait3A_160] : memref<256x128xf32, #tpu.memory_space<vmem>> -> memref<128x128xf32, #tpu.memory_space<vmem>>
    %dma_wait3A_162 = arith.constant 0 : i32
    %dma_wait3A_163 = tpu.memref_slice %arg4[%add3A_138, %dma_wait3A_162] : memref<8192x128xf32, #tpu.memory_space<hbm>> -> memref<128x128xf32, #tpu.memory_space<hbm>>
    %dma_wait3A_164 = arith.constant 0 : i32
    %dma_wait3A_165 = tpu.memref_slice %arg4[%add3A_138, %dma_wait3A_164] : memref<8192x128xf32, #tpu.memory_space<hbm>> -> memref<128x128xf32, #tpu.memory_space<hbm>>
    %dma_wait3A_166 = arith.constant 128 : i32
    %dma_wait3A_167 = arith.constant 0 : i32
    %dma_wait3A_168 = tpu.memref_slice %arg6[%dma_wait3A_166, %dma_wait3A_167] : memref<256x128xf32, #tpu.memory_space<vmem>> -> memref<128x128xf32, #tpu.memory_space<vmem>>
    tpu.wait_dma2 semaphore(%arg9 : memref<!tpu.dma_semaphore, #tpu.memory_space<semaphore_mem>>) src(%dma_wait3A_168 : memref<128x128xf32, #tpu.memory_space<vmem>>) dst(%dma_wait3A_165 : memref<128x128xf32, #tpu.memory_space<hbm>>)
    return
  }
}

module attributes {stable_mosaic.version = 14 : i64} {
  func.func @_tc_body(%arg0: i32, %arg1: memref<2048x128xf32, #tpu.memory_space<vmem>>, %arg2: memref<2048x1xi32, #tpu.memory_space<vmem>>, %arg3: memref<1x128xf32, #tpu.memory_space<vmem>>, %arg4: memref<2048x128xf32, #tpu.memory_space<vmem>>, %arg5: memref<128x1024xbf16, #tpu.memory_space<vmem>>, %arg6: memref<1x1024xf32, #tpu.memory_space<vmem>>, %arg7: memref<2048x1024xf32, #tpu.memory_space<vmem>>) attributes {dimension_semantics = [#tpu.dimension_semantics<arbitrary>], iteration_bounds = array<i64: 4>, scalar_prefetch = 0 : i64, scratch_operands = 0 : i64, tpu.core_type = #tpu.core_type<tc>, window_params = [{transform_indices = @transform_0, window_bounds = array<i64: 2048, 128>}, {transform_indices = @transform_1, window_bounds = array<i64: 2048, 1>}, {pipeline_mode = #tpu.pipeline_mode<synchronous>, transform_indices = @transform_2, window_bounds = array<i64: 1, 128>}, {pipeline_mode = #tpu.pipeline_mode<synchronous>, transform_indices = @transform_3, window_bounds = array<i64: 2048, 128>}, {pipeline_mode = #tpu.pipeline_mode<synchronous>, transform_indices = @transform_4, window_bounds = array<i64: 128, 1024>}, {pipeline_mode = #tpu.pipeline_mode<synchronous>, transform_indices = @transform_5, window_bounds = array<i64: 1, 1024>}, {transform_indices = @transform_6, window_bounds = array<i64: 2048, 1024>}]} {
    %get3A = arith.constant 0 : index
    %get3A_0 = arith.constant 0 : index
    %get3A_1 = vector.load %arg2[%get3A, %get3A_0] : memref<2048x1xi32, #tpu.memory_space<vmem>>, vector<2048x1xi32>
    %convert_element_type3A = arith.sitofp %get3A_1 : vector<2048x1xi32> to vector<2048x1xf32>
    %get3A_2 = arith.constant 0 : index
    %get3A_3 = arith.constant 0 : index
    %get3A_4 = vector.load %arg1[%get3A_2, %get3A_3] : memref<2048x128xf32, #tpu.memory_space<vmem>>, vector<2048x128xf32>
    %get3A_5 = arith.constant 0 : index
    %get3A_6 = arith.constant 0 : index
    %get3A_7 = vector.load %arg4[%get3A_5, %get3A_6] : memref<2048x128xf32, #tpu.memory_space<vmem>>, vector<2048x128xf32>
    %add3A = arith.addf %get3A_4, %get3A_7 : vector<2048x128xf32>
    %get3A_8 = arith.constant 0 : index
    %get3A_9 = arith.constant 0 : index
    %get3A_10 = vector.load %arg3[%get3A_8, %get3A_9] : memref<1x128xf32, #tpu.memory_space<vmem>>, vector<1x128xf32>
    %mul3A = vector.broadcast %convert_element_type3A : vector<2048x1xf32> to vector<2048x128xf32>
    %mul3A_11 = vector.broadcast %get3A_10 : vector<1x128xf32> to vector<2048x128xf32>
    %mul3A_12 = arith.mulf %mul3A, %mul3A_11 : vector<2048x128xf32>
    %add3A_13 = arith.addf %add3A, %mul3A_12 : vector<2048x128xf32>
    %reduce_sum3A = arith.constant dense<0.000000e+00> : vector<2048xf32>
    %reduce_sum3A_14 = vector.multi_reduction <add>, %add3A_13, %reduce_sum3A [1] : vector<2048x128xf32> to vector<2048xf32>
    %broadcast_in_dim3A = vector.shape_cast %reduce_sum3A_14 : vector<2048xf32> to vector<2048x1xf32>
    %mul3A_15 = arith.mulf %add3A_13, %add3A_13 : vector<2048x128xf32>
    %reduce_sum3A_16 = arith.constant dense<0.000000e+00> : vector<2048xf32>
    %reduce_sum3A_17 = vector.multi_reduction <add>, %mul3A_15, %reduce_sum3A_16 [1] : vector<2048x128xf32> to vector<2048xf32>
    %broadcast_in_dim3A_18 = vector.shape_cast %reduce_sum3A_17 : vector<2048xf32> to vector<2048x1xf32>
    %mul3A_19 = arith.constant 7.812500e-03 : f32
    %mul3A_20 = vector.broadcast %mul3A_19 : f32 to vector<2048x1xf32>
    %mul3A_21 = arith.mulf %broadcast_in_dim3A, %mul3A_20 : vector<2048x1xf32>
    %mul3A_22 = arith.constant 7.812500e-03 : f32
    %mul3A_23 = vector.broadcast %mul3A_22 : f32 to vector<2048x1xf32>
    %mul3A_24 = arith.mulf %broadcast_in_dim3A_18, %mul3A_23 : vector<2048x1xf32>
    %mul3A_25 = arith.mulf %mul3A_21, %mul3A_21 : vector<2048x1xf32>
    %sub3A = arith.subf %mul3A_24, %mul3A_25 : vector<2048x1xf32>
    %sub3A_26 = vector.broadcast %mul3A_21 : vector<2048x1xf32> to vector<2048x128xf32>
    %sub3A_27 = arith.subf %add3A_13, %sub3A_26 : vector<2048x128xf32>
    %add3A_28 = arith.constant 9.99999996E-13 : f32
    %add3A_29 = vector.broadcast %add3A_28 : f32 to vector<2048x1xf32>
    %add3A_30 = arith.addf %sub3A, %add3A_29 : vector<2048x1xf32>
    %rsqrt3A = math.rsqrt %add3A_30 : vector<2048x1xf32>
    %mul3A_31 = vector.broadcast %rsqrt3A : vector<2048x1xf32> to vector<2048x128xf32>
    %mul3A_32 = arith.mulf %sub3A_27, %mul3A_31 : vector<2048x128xf32>
    %convert_element_type3A_33 = arith.truncf %mul3A_32 : vector<2048x128xf32> to vector<2048x128xbf16>
    %get3A_34 = arith.constant 0 : index
    %get3A_35 = arith.constant 0 : index
    %get3A_36 = vector.load %arg5[%get3A_34, %get3A_35] : memref<128x1024xbf16, #tpu.memory_space<vmem>>, vector<128x1024xbf16>
    %dot_general3A = arith.constant dense<0.000000e+00> : vector<2048x1024xf32>
    %dot_general3A_37 = tpu.matmul %convert_element_type3A_33, %get3A_36, %dot_general3A {dimension_numbers = #tpu.dot_dimension_numbers<[1], [0], [0], [1], [0, 0, 1, 1], [], []>, transpose_lhs_hint = false} : vector<2048x128xbf16>, vector<128x1024xbf16>, vector<2048x1024xf32> -> vector<2048x1024xf32>
    %get3A_38 = arith.constant 0 : index
    %get3A_39 = arith.constant 0 : index
    %get3A_40 = vector.load %arg6[%get3A_38, %get3A_39] : memref<1x1024xf32, #tpu.memory_space<vmem>>, vector<1x1024xf32>
    %add3A_41 = vector.broadcast %get3A_40 : vector<1x1024xf32> to vector<2048x1024xf32>
    %add3A_42 = arith.addf %dot_general3A_37, %add3A_41 : vector<2048x1024xf32>
    %swap3A = arith.constant 0 : index
    %swap3A_43 = arith.constant 0 : index
    %swap3A_44 = vector.load %arg7[%swap3A, %swap3A_43] : memref<2048x1024xf32, #tpu.memory_space<vmem>>, vector<2048x1024xf32>
    tpu.vector_store %arg7[%swap3A, %swap3A_43], %add3A_42 {strides = array<i32>} : memref<2048x1024xf32, #tpu.memory_space<vmem>>, vector<2048x1024xf32>,
    return
  }
  func.func @transform_0(%arg0: i32) -> (i32, i32) {
    %c0_i32 = arith.constant 0 : i32
    %c0_i32_0 = arith.constant 0 : i32
    return %arg0, %c0_i32 : i32, i32
  }
  func.func @transform_1(%arg0: i32) -> (i32, i32) {
    %add3A = arith.constant 0 : i32
    %add3A_0 = arith.addi %add3A, %arg0 : i32
    %c0_i32 = arith.constant 0 : i32
    %c0_i32_1 = arith.constant 0 : i32
    return %add3A_0, %c0_i32 : i32, i32
  }
  func.func @transform_2(%arg0: i32) -> (i32, i32) {
    %c0_i32 = arith.constant 0 : i32
    %c0_i32_0 = arith.constant 0 : i32
    %c0_i32_1 = arith.constant 0 : i32
    return %c0_i32, %c0_i32_0 : i32, i32
  }
  func.func @transform_3(%arg0: i32) -> (i32, i32) {
    %c0_i32 = arith.constant 0 : i32
    %c0_i32_0 = arith.constant 0 : i32
    %c0_i32_1 = arith.constant 0 : i32
    return %c0_i32, %c0_i32_0 : i32, i32
  }
  func.func @transform_4(%arg0: i32) -> (i32, i32) {
    %c0_i32 = arith.constant 0 : i32
    %c0_i32_0 = arith.constant 0 : i32
    %c0_i32_1 = arith.constant 0 : i32
    return %c0_i32, %c0_i32_0 : i32, i32
  }
  func.func @transform_5(%arg0: i32) -> (i32, i32) {
    %c0_i32 = arith.constant 0 : i32
    %c0_i32_0 = arith.constant 0 : i32
    %c0_i32_1 = arith.constant 0 : i32
    return %c0_i32, %c0_i32_0 : i32, i32
  }
  func.func @transform_6(%arg0: i32) -> (i32, i32) {
    %add3A = arith.constant 0 : i32
    %add3A_0 = arith.addi %add3A, %arg0 : i32
    %c0_i32 = arith.constant 0 : i32
    %c0_i32_1 = arith.constant 0 : i32
    return %add3A_0, %c0_i32 : i32, i32
  }
}

</mosaic_0001>

<sc_bundles>
// kernel: kernel.4.cloned.1.call-start
scs
__scs_entry_jumppad:
0x0: {  	(pc) =	sbr.rel $0x88, $3  }
0x1: {  	(tag) =	ssettag $0x0;
	lr =	simm.s32 $0x1  }
0x2: {  	[smem:$0x3F98] =	sst lr;
	_ =	strace $0xD0000000  }
0x3: {  	_ = 	snop  }
0x4: {  	_ = 	snop  }
0x5: {  	_ = 	snop  }
0x6: {  	_ = 	snop  }
0x7: {  	_ = 	snop  }
__scs_overlays_trampoline_lowered:
0x8: {  	[smem:$0x3FA7] =	sst s0  }
0x9: {  	[smem:$0x3FA8] =	sst s1  }
0xa: {  	[smem:$0x3FA9] =	sst s2  }
0xb: {  	[smem:$0x3FAA] =	sst s3  }
0xc: {  	[smem:$0x3FAB] =	sst s4  }
0xd: {  	[smem:$0x3FAC] =	sst s5  }
0xe: {  	[smem:$0x3FAD] =	sst s6  }
0xf: {  	[smem:$0x3FAE] =	sst s7  }
0x10: {  	[smem:$0x3FAF] =	sst s8  }
0x11: {  	[smem:$0x3FB0] =	sst s9;
	s0 =	simm.s32 @!p0 $0x0  }
0x12: {  	s1 =	sld [smem:$0x3F96];
	s0 =	simm.s32 @p0 $0x1  }
0x13: {  	[smem:$0x3FB1] =	sst s0;
	s0 =	simm.s32 @!p1 $0x0  }
0x14: {  	s2 =	sld [smem:$0x3F95];
	s0 =	simm.s32 @p1 $0x1  }
0x15: {  	[smem:$0x3FB2] =	sst s0;
	s0 =	simm.s32 @!p2 $0x0  }
0x16: {  	s3 =	sld [smem:$0x3FDB];
	s0 =	simm.s32 @p2 $0x1  }
0x17: {  	s4 =	simm.s32 $0x1BF5;
	[smem:$0x3FB4] =	sst s0  }
0x18: {  	s0 =	sld [smem:$0x3F97];
	_ =	swait.ge [sflag:s4], $0x0  }
0x19: {  	s7 =	sld [smem:$0x3F98]  }
0x1a: {  	s8 =	sadd.s32 $0xFFFFE003, lr  }
0x1b: {  	s9 =	sadd.s32 $0xFFFFFEF7, lr;
	s5 =	simm.s32 $0xFFFFFFFF;
	p2 =	slt.u32 s8, $0xFFFFF086  }
0x1c: {  	p1 =	slt.u32 s9, $0xF7A;
	s5 =	simm.s32 @!p2 $0x0  }
0x1d: {  	s5 =	simm.s32 @p1 $0x1;
	p0 =	seq.s32 s7, s2  }
0x1e: {  	s7 =	smul.u32 @!p0 $0xF7A, s2;
	p2 =	seq.s32 @!p0 s5, $0x0  }
0x1f: {  	s9 =	smul.u32 $0xF7A, s1;
	s8 =	simm.s32 @!p0 $0x1BF5;
	p2 =	por !p2, p0  }
0x20: {  	[sflag:s8] =	ssyncset.s32 @!p0 $0xFFFFF086;
	s6 =	sadd.s32 @!p0 s3, s7;
	s7 =	simm.s32 @!p0 $0x108  }
0x21: {  	s3 =	sadd.s32 s3, s9;
	s6 =	sadd.s32 @!p0 $0x88, s6;
	s7 =	simm.s32 @p2 $0x1082  }
0x22: {  	[simem:s7], [sflag:s8] =	dma.local @!p0 [hbm:s6], $0xF7A  }
0x23: {  	s9 =	sor.u32 $0xD0000000, s2;
	s6 =	simm.s32 $0x108;
	_ =	swait.ge @!p0 [sflag:s8], $0x0  }
0x24: {  	s3 =	sadd.s32 $0x88, s3;
	s6 =	simm.s32 @!p1 $0x1082;
	[sflag:s4] =	ssyncset.s32 $0xFFFFF086  }
0x25: {  	[simem:s6], [sflag:s4] =	dma.local [hbm:s3], $0xF7A  }
0x26: {  	[smem:$0x3F98] =	sst s1;
	(tag) =	ssettag s2;
	_ =	strace s9  }
0x27: {  	s1 =	sld [smem:$0x3FA8]  }
0x28: {  	s2 =	sld [smem:$0x3FA9]  }
0x29: {  	s4 =	sld [smem:$0x3FAB]  }
0x2a: {  	p0 =	seq.s32 s5, $0x0;
	s5 =	sld [smem:$0x3FAC]  }
0x2b: {  	s6 =	sld [smem:$0x3FAD]  }
0x2c: {  	s7 =	sld [smem:$0x3FAE]  }
0x2d: {  	s3 =	simm.s32 $0x108;
	s8 =	sld [smem:$0x3FAF]  }
0x2e: {  	s3 =	simm.s32 @!p0 $0x1082;
	s9 =	sld [smem:$0x3FB0]  }
0x2f: {  	lr =	sadd.s32 s0, s3;
	s0 =	sld [smem:$0x3FA7]  }
0x30: {  	s3 =	sld [smem:$0x3FAA]  }
0x31: {  	[smem:$0x3FB3] =	sst s10  }
0x32: {  	s10 =	sld [smem:$0x3FB1];
	_ =	sdelay $0x3  }
0x33: {  	p0 =	seq.s32 s10, $0x1;
	s10 =	sld [smem:$0x3FB3];
	_ =	sdelay $0x3  }
0x34: {  	[smem:$0x3FB3] =	sst s10  }
0x35: {  	s10 =	sld [smem:$0x3FB2];
	_ =	sdelay $0x3  }
0x36: {  	p1 =	seq.s32 s10, $0x1;
	s10 =	sld [smem:$0x3FB3];
	_ =	sdelay $0x3  }
0x37: {  	[smem:$0x3FB3] =	sst s10  }
0x38: {  	s10 =	sld [smem:$0x3FB4]  }
0x39: {  	_ = 	snop;
	(pc) =	sbr.ind lr, $3  }
0x3a: {  	_ = 	snop  }
0x3b: {  	_ = 	snop  }
0x3c: {  	p2 =	seq.s32 s10, $0x1;
	s10 =	sld [smem:$0x3FB3]  }
0x3d: {  	_ =	shalt  }
0x3e: {  	_ =	shalt  }
0x3f: {  	_ =	shalt  }
0x40: {  	_ =	shalt  }
0x41: {  	_ =	shalt  }
0x42: {  	_ =	shalt  }
0x43: {  	_ =	shalt  }
0x44: {  	_ =	shalt  }
0x45: {  	_ =	shalt  }
0x46: {  	_ =	shalt  }
0x47: {  	_ =	shalt  }
0x48: {  	_ =	shalt  }
0x49: {  	_ =	shalt  }
0x4a: {  	_ =	shalt  }
0x4b: {  	_ =	shalt  }
0x4c: {  	_ =	shalt  }
0x4d: {  	_ =	shalt  }
0x4e: {  	_ =	shalt  }
0x4f: {  	_ =	shalt  }
0x50: {  	_ =	shalt  }
0x51: {  	_ =	shalt  }
0x52: {  	_ =	shalt  }
0x53: {  	_ =	shalt  }
0x54: {  	_ =	shalt  }
0x55: {  	_ =	shalt  }
0x56: {  	_ =	shalt  }
0x57: {  	_ =	shalt  }
0x58: {  	_ =	shalt  }
0x59: {  	_ =	shalt  }
0x5a: {  	_ =	shalt  }
0x5b: {  	_ =	shalt  }
0x5c: {  	_ =	shalt  }
0x5d: {  	_ =	shalt  }
0x5e: {  	_ =	shalt  }
0x5f: {  	_ =	shalt  }
0x60: {  	_ =	shalt  }
0x61: {  	_ =	shalt  }
0x62: {  	_ =	shalt  }
0x63: {  	_ =	shalt  }
0x64: {  	_ =	shalt  }
0x65: {  	_ =	shalt  }
0x66: {  	_ =	shalt  }
0x67: {  	_ =	shalt  }
0x68: {  	_ =	shalt  }
0x69: {  	_ =	shalt  }
0x6a: {  	_ =	shalt  }
0x6b: {  	_ =	shalt  }
0x6c: {  	_ =	shalt  }
0x6d: {  	_ =	shalt  }
0x6e: {  	_ =	shalt  }
0x6f: {  	_ =	shalt  }
0x70: {  	_ =	shalt  }
0x71: {  	_ =	shalt  }
0x72: {  	_ =	shalt  }
0x73: {  	_ =	shalt  }
0x74: {  	_ =	shalt  }
0x75: {  	_ =	shalt  }
0x76: {  	_ =	shalt  }
0x77: {  	_ =	shalt  }
0x78: {  	_ =	shalt  }
0x79: {  	_ =	shalt  }
0x7a: {  	_ =	shalt  }
0x7b: {  	_ =	shalt  }
0x7c: {  	_ =	shalt  }
0x7d: {  	_ =	shalt  }
0x7e: {  	_ =	shalt  }
0x7f: {  	_ =	shalt  }
0x80: {  	_ =	shalt  }
0x81: {  	_ =	shalt  }
0x82: {  	_ =	shalt  }
0x83: {  	_ =	shalt  }
0x84: {  	_ =	shalt  }
0x85: {  	_ =	shalt  }
0x86: {  	_ =	shalt  }
0x87: {  	_ =	shalt  }
.Lfunc_end0:
.L_simem_size_0:
called_computation_lowered:
.L_overlay_start_0:
0x88: {  	s2 =	sld [smem:$0x3FD9]  }
0x89: {  	s3 =	sld [smem:$0x3FFE];
	_ =	sdelay $0x1  }
0x8a: {  	s1 =	srdreg.scid  }
0x8b: {  	s0 =	sand.u32 $0x1, s1  }
0x8c: {  	s18 =	sshll.u32 s0, $0xA;
	s2 =	sadd.s32 s3, s2  }
0x8d: {  	s2 =	sadd.s32 s2, s18  }
0x8e: {  	[smem:$0x3FBF] =	sst s2  }
0x8f: {  	_ = 	snop  }
0x90: {  	s2 =	sld [smem:$0x3FC9]  }
0x91: {  	s19 =	sld [smem:$0x3FC7]  }
0x92: {  	s4 =	sld [smem:$0x3FD0];
	(tm) =	ssettm $0x1  }
0x93: {  	s5 =	sld [smem:$0x3FFB];
	_ =	sdelay $0x3  }
0x94: {  	_ =	strace s5  }
0x95: {  	s5 =	sld [smem:$0x3FFC];
	_ =	sdelay $0x3  }
0x96: {  	_ =	strace s5  }
0x97: {  	s5 =	sld [smem:$0x3FFD];
	_ =	sdelay $0x3  }
0x98: {  	_ =	strace s5  }
0x99: {  	_ =	strace $0x8FFFFFFF  }
0x9a: {  	s20 =	sld [smem:$0x3FDB];
	_ =	sdelay $0x1  }
0x9b: {  	s6 =	simm.s32 $_scs_section_size  }
0x9c: {  	s7 =	simm.s32 $_size__tile_overlayer_lowered;
	s8 =	simm.s32 $_tile_overlayer_lowered  }
0x9d: {  	s23 =	simm.s32 $0x1BFF;
	s22 =	sshll.u32 s8, $0x1;
	s5 =	sadd.s32 s6, s20  }
0x9e: {  	s9 =	simm.s32 $0x0;
	s21 =	sshll.u32 s7, $0x1;
	s7 =	sadd.s32 s22, s5  }
0x9f: {  	[timem:s9], [sflag:s23] =	dma.local [hbm:s7], s21  }
0xa0: {  	_ =	swait.ge [sflag:s23], s21  }
0xa1: {  	s6 =	ssub.s32 $0x0, s21;
	[sflag:s23] =	ssyncset.done $0x0  }
0xa2: {  	[sflag:s23] =	ssyncadd.s32 s6;
	_ =	sdelay $0x1  }
0xa3: {  	s24 =	simm.s32 $0x1B8B  }
0xa4: {  	_ =	swait.ge [sflag:s24], $0x1  }
0xa5: {  	[sflag:s24] =	ssyncset.done $0x0  }
0xa6: {  	s25 =	simm.s32 $0x1B8E;
	[sflag:s24] =	ssyncadd.s32 $0xFFFFFFFF  }
0xa7: {  	s26 =	simm.s32 $execute0_lowered;
	[smem:$0x3FD2] =	sst s25  }
0xa8: {  	s6 =	sshll.u32 s26, $0x1;
	_ =	strace $0x80000046;
	[dreg:$0x1] =	wrdreg $0xFFFFFFFF  }
0xa9: {  	s28 =	simm.s32 $_size_execute0_lowered;
	s5 =	sadd.s32 s5, s6;
	[dreg:$0x0] =	wrdreg $0x0  }
0xaa: {  	s6 =	sshll.u32 s28, $0x1;
	[dreg:$0x2] =	wrdreg s5  }
0xab: {  	[dreg:$0x3] =	wrdreg s6  }
0xac: {  	[dreg:$0x4] =	wrdreg $0xC0  }
0xad: {  	_ =	task [dreg:s9], $0x5FFFF  }
0xae: {  	[dreg:$0x1] =	wrdreg $0xFFFFFFFF  }
0xaf: {  	[dreg:$0x0] =	wrdreg $0x60  }
0xb0: {  	[dreg:$0x2] =	wrdreg s2  }
0xb1: {  	[dreg:$0x3] =	wrdreg s19  }
0xb2: {  	[dreg:$0x4] =	wrdreg s4  }
0xb3: {  	[dreg:$0x5] =	wrdreg $0x9  }
0xb4: {  	_ =	task.clear_ibuf [dreg:s9], $0x6FFFF;
	_ =	strace $0x90000046  }
0xb5: {  	s29 =	simm.s32 $0x9;
	_ =	strace $0x80000048  }
0xb6: {  	_ =	swait.ge [sflag:s29], $0x1  }
0xb7: {  	[sflag:s29] =	ssyncadd.s32 $0xFFFFFFFF  }
0xb8: {  	_ =	strace $0x90000048  }
0xb9: {  	_ =	sfence  }
0xba: {  	s30 =	sld [smem:$0x0];
	_ =	sdelay $0x2  }
0xbb: {  	s31 =	sshll.u32 s1, $0xD;
	s1 =	sshrl.u32 s1, $0x2  }
0xbc: {  	s3 =	sand.u32 $0x4000, s31;
	s1 =	sadd.s32 s1, s30  }
0xbd: {  	s0 =	sor.u32 s3, s0;
	s1 =	sshll.u32 s1, $0x11  }
0xbe: {  	s0 =	sor.u32 s1, s0  }
0xbf: {  	s0 =	sadd.s32 $0x8F2B, s0  }
0xc0: {  	[sflag:s0] =	ssyncadd.remote.s32 $0x1  }
0xc1: {  	_ =	sfence.sel $0xFFFF  }
0xc2: {  	[dreg:$0x0] =	wrdreg $0xFFFFFFFF;
	(pc) =	sbr.abs _section_cstart, $3  }
0xc3: {  	[dreg:$0x1] =	wrdreg $0xFFFFFFFF  }
0xc4: {  	_ =	task.clear_ibuf [dreg:s9], $0x2FFFF;
	_ =	strace $0x9FFFFFFF  }
0xc5: {  	(tm) =	ssettm $0x7FFFFFFF  }
tec
execute0_lowered:
.L_overlay_start_1:
0x0: {  	(tag) =	ssettag $0x1  }
0x1: {  	s1 =	srdreg.scid  }
0x2: {  	s0 =	stileid.u32;
	s12 =	sand.u32 $0x1, s1  }
0x3: {  	s31 =	sshll.u32 s0, $0x9;
	s2 =	sshll.u32 s12, $0x8  }
0x4: {  	s11 =	sor.u32 s2, s31  }
0x5: {  	s4 =	rddreg [dreg:$0x0];
	s3 =	sshll.u32 s0, $0x5;
	s1 =	sshll.u32 s11, $0x2  }
0x6: {  	s13 =	rddreg [dreg:$0x2];
	s5 =	sor.u32 s3, s1  }
0x7: {  	s2 =	rddreg [dreg:$0x1];
	s3 =	simm.s32 $0x0;
	s5 =	sand.u32 $0x1D80, s5  }
0x8: {  	[smem:$0x7FF] =	sst s3;
	s5 =	sshrl.u32 s5, $0x3  }
0x9: {  	s1 =	rddreg [dreg:$0x3];
	_ =	strace $0x80000047;
	s4 =	sadd.s32 s4, s5  }
0xa: {  	[tilespmem:s3], [sflag:$0x1] =	stream.linear.gather [hbm4b:s4+s3], $0x80, $0x38;
	[tilespmem:$0x8100] =	vst v63  }
0xb: {  	s6 =	simm.s32 $0x80;
	s7 =	simm.s32 $0x1;
	s5 =	sadd.s32 $0x40, s4  }
0xc: {  	[tilespmem:s6], [sflag:$0x1] =	stream.linear.gather [hbm4b:s5+s3], $0x80, $0x38;
	[tilespmem:$0x8100] =	vst v63  }
0xd: {  	_ =	swait.ge [sflag:s7], $0x80  }
0xe: {  	[sflag:s7] =	ssyncset.done $0x0  }
0xf: {  	s8 =	simm.s32 $0x100;
	[sflag:s7] =	ssyncadd.s32 $0xFFFFFF80  }
0x10: {  	[tilespmem:s8], [sflag:$0x2] =	stream.indirect.gather [hbm4b:s2+s6], $0x80, s3, s6, $0xb8;
	[tilespmem:$0x8100] =	vst v63  }
0x11: {  	_ =	swait.ge [sflag:s7], $0x80  }
0x12: {  	[sflag:s7] =	ssyncset.done $0x0  }
0x13: {  	s9 =	simm.s32 $0x4100;
	s10 =	simm.s32 $0x2;
	[sflag:s7] =	ssyncadd.s32 $0xFFFFFF80  }
0x14: {  	[tilespmem:s9], [sflag:$0x2] =	stream.indirect.gather [hbm4b:s2+s6], $0x80, s6, s6, $0xb8;
	[tilespmem:$0x8100] =	vst v63  }
0x15: {  	_ =	swait.ge [sflag:s10], $0x4000  }
0x16: {  	s14 =	ssub.s32 $0x2, s12;
	s11 =	sshll.u32 s11, $0x4;
	[sflag:s10] =	ssyncset.done $0x0  }
0x17: {  	s15 =	sshrl.u32 s14, $0x1;
	s11 =	sadd.s32 s13, s11;
	[sflag:s10] =	ssyncadd.s32 $0xFFFFC000  }
0x18: {  	[hbm4b:s11+s3] =	stream.linear.scatter [tilespmem:s8], [sflag:$0x3], $0x4000, $0x38;
	[tilespmem:$0x8100] =	vst v63  }
0x19: {  	s14 =	ssub.s32 s14, s15;
	_ =	swait.ge [sflag:s10], $0x4000  }
0x1a: {  	s12 =	simm.s32 $0x3;
	s14 =	smax.u32 s14, $0x1;
	[sflag:s10] =	ssyncset.done $0x0  }
0x1b: {  	s13 =	sadd.s32 $0x800, s11;
	p0 =	sne.s32 s14, $0x1;
	[sflag:s10] =	ssyncadd.s32 $0xFFFFC000  }
0x1c: {  	[hbm4b:s13+s3] =	stream.linear.scatter [tilespmem:s9], [sflag:$0x3], $0x4000, $0x38;
	[tilespmem:$0x8100] =	vst v63  }
.Ltmp0:
0x1d: {  	_ =	swait.ge [sflag:s12], $0x4000;
	(pc) =	sbr.rel @!p0 .LBB2_2-.Ltmp0, $4  }
0x1e: {  	[sflag:s12] =	ssyncset.done $0x0  }
0x1f: {  	[sflag:s12] =	ssyncadd.s32 $0xFFFFC000  }
0x20: {  	_ =	swait.ge [sflag:s12], $0x4000  }
0x21: {  	s14 =	sadd.s32 $0xFFFFFFFF, s14;
	[sflag:s12] =	ssyncset.done $0x0  }
.LBB2_1:
0x22: {  	p0 =	sne.s32 s14, $0x1;
	s14 =	sadd.s32 $0xFFFFFFFF, s14;
	[sflag:s12] =	ssyncadd.s32 $0xFFFFC000  }
0x23: {  	[tilespmem:s3], [sflag:$0x1] =	stream.linear.gather [hbm4b:s4+s3], $0x80, $0x38;
	[tilespmem:$0x8100] =	vst v63  }
0x24: {  	_ = 	snop  }
0x25: {  	[tilespmem:s6], [sflag:$0x1] =	stream.linear.gather [hbm4b:s5+s3], $0x80, $0x38;
	[tilespmem:$0x8100] =	vst v63  }
0x26: {  	_ =	swait.ge [sflag:s7], $0x80  }
0x27: {  	[sflag:s7] =	ssyncset.done $0x0  }
0x28: {  	[sflag:s7] =	ssyncadd.s32 $0xFFFFFF80  }
0x29: {  	[tilespmem:s8], [sflag:$0x2] =	stream.indirect.gather [hbm4b:s2+s6], $0x80, s3, s6, $0xb8;
	[tilespmem:$0x8100] =	vst v63  }
0x2a: {  	_ =	swait.ge [sflag:s7], $0x80  }
0x2b: {  	[sflag:s7] =	ssyncset.done $0x0  }
0x2c: {  	[sflag:s7] =	ssyncadd.s32 $0xFFFFFF80  }
0x2d: {  	[tilespmem:s9], [sflag:$0x2] =	stream.indirect.gather [hbm4b:s2+s6], $0x80, s6, s6, $0xb8;
	[tilespmem:$0x8100] =	vst v63  }
0x2e: {  	_ =	swait.ge [sflag:s10], $0x4000  }
0x2f: {  	[sflag:s10] =	ssyncset.done $0x0  }
0x30: {  	[sflag:s10] =	ssyncadd.s32 $0xFFFFC000  }
0x31: {  	[hbm4b:s11+s3] =	stream.linear.scatter [tilespmem:s8], [sflag:$0x3], $0x4000, $0x38;
	[tilespmem:$0x8100] =	vst v63  }
0x32: {  	_ =	swait.ge [sflag:s10], $0x4000  }
0x33: {  	[sflag:s10] =	ssyncset.done $0x0  }
0x34: {  	[sflag:s10] =	ssyncadd.s32 $0xFFFFC000  }
0x35: {  	[hbm4b:s13+s3] =	stream.linear.scatter [tilespmem:s9], [sflag:$0x3], $0x4000, $0x38;
	[tilespmem:$0x8100] =	vst v63  }
.Ltmp1:
0x36: {  	_ =	swait.ge [sflag:s12], $0x4000;
	(pc) =	sbr.rel @p0 .LBB2_1-.Ltmp1, $4  }
0x37: {  	[sflag:s12] =	ssyncset.done $0x0  }
0x38: {  	[sflag:s12] =	ssyncadd.s32 $0xFFFFC000  }
0x39: {  	_ =	swait.ge [sflag:s12], $0x4000  }
0x3a: {  	[sflag:s12] =	ssyncset.done $0x0  }
.LBB2_2:
0x3b: {  	[sflag:s12] =	ssyncadd.s32 $0xFFFFC000  }
0x3c: {  	_ =	sfence.sel $0x180000  }
0x3d: {  	[bflag:$0x0] =	sbarrier.arrive $0xFFFF  }
0x3e: {  	p0 =	sne.s32 s0, $0x0;
	_ =	strace $0x90000047  }
0x3f: {  	s0 =	sadd.s32 @!p0 $0x100000, s1;
	[bflag:$0x2] =	sbarrier.arrive $0xFFFF  }
0x40: {  	[sflag:s0] =	ssyncadd.tile.s32 @!p0 $0x1;
	_ =	shalt  }
.Lfunc_end2:
_tile_overlayer_lowered:
.L_overlay_start_2:
0x41: {  	(tag) =	ssettag $0x2  }
0x42: {  	s0 =	rddreg [dreg:$0x0];
	s2 =	stileid.u32  }
0x43: {  	s1 =	rddreg [dreg:$0x1];
	p0 =	sne.s32 s2, $0x0  }
0x44: {  	s3 =	rddreg [dreg:$0x2];
	[bflag:$0x3] =	sbarrier.arrive $0xFFFF;
	s2 =	simm.s32 @!p0 $0x1C04  }
0x45: {  	[timem:s3], [sflag:s2] =	dma.local @!p0 [hbm:s0], s1  }
0x46: {  	s0 =	simm.s32 @!p0 $0x4  }
0x47: {  	_ =	swait.ge @!p0 [sflag:s0], s1  }
0x48: {  	s1 =	ssub.s32 @!p0 $0x0, s1;
	[sflag:s0] =	ssyncset.done @!p0 $0x0  }
0x49: {  	[sflag:s0] =	ssyncadd.s32 @!p0 s1  }
0x4a: {  	[bflag:$0x3] =	sbarrier.arrive $0xFFFF  }
0x4b: {  	_ =	shalt  }

</sc_bundles>
